<compile_context>
chip_gen: v7x
topology: tpu7x:2x2x1
jax: 0.10.2.dev20260603
libtpu: 0.0.44.dev20260713+nightly
codegen_flags: <defaults>
</compile_context>

<pallas_src>
import jax
import jax.numpy as jnp
import numpy as np
from jax.experimental import pallas as pl
from jax.experimental.pallas import tpu as pltpu

B, H, W = 32, 512, 512

_C64 = np.float32(2.0**64)
_LN2 = float(np.log(2.0))
_QMIN = np.float32(np.exp(-100.0) * 2.0**64)
_Q0 = np.float32(np.exp(-100.0 + 64.0 * _LN2))


def _loss_body(mask_ref, p_ref, out_ref):
    p = p_ref[...].reshape(H, W)
    mask = mask_ref[...].reshape(H, W)

    q = p * _C64
    t = jnp.where(q < _QMIN, _Q0, q)
    v = jnp.where(mask, t, _C64)

    bits = v.view(jnp.int32)
    e_sum = jnp.sum(bits >> 23)
    m = ((bits & 0x7FFFFF) | 0x3F800000).view(jnp.float32)
    gp = m.reshape(H // 32, 32, W)
    while gp.shape[1] > 1:
        half = gp.shape[1] // 2
        gp = gp[:, :half, :] * gp[:, half:, :]
    m_sum = jnp.sum(jnp.log(gp[:, 0, :]))

    n = H * W
    out_ref[0, 0, 0] = -(_LN2 * (e_sum - 191 * n).astype(jnp.float32) + m_sum)


def kernel(pos_indicator, pred_confs):
    p = pred_confs.reshape(B, H, W)
    out = pl.pallas_call(
        _loss_body,
        grid=(B,),
        in_specs=[
            pl.BlockSpec((1, H, W), lambda b: (b, 0, 0)),
            pl.BlockSpec((1, H, W), lambda b: (b, 0, 0)),
        ],
        out_specs=pl.BlockSpec(
            (1, 1, 1), lambda b: (b, 0, 0), memory_space=pltpu.SMEM
        ),
        out_shape=jax.ShapeDtypeStruct((B, 1, 1), jnp.float32),
        compiler_params=pltpu.CompilerParams(
            dimension_semantics=("arbitrary",),
        ),
    )(pos_indicator, p)
    return out.reshape(B)

# --- scband reference (transcript-rebuilt; emitter-appended) ---
"""Pipeline reference for scband-classification-loss-45028437131734 (READ-ONLY COPY).

The authoritative reference and input builder live on the scoring server;
editing this copy changes nothing except your own understanding.
"""

import jax, jax.numpy as jnp
import numpy as np

B, H, W = 32, 512, 512

def setup_inputs(seed: int = 0) -> dict:
    key = jax.random.key(seed)
    k1, k2 = jax.random.split(key)
    pos_indicator = jax.random.randint(k1, (B, H, W), 0, 2).astype(bool)
    pred_confs = jax.random.uniform(k2, (B, H, W, 1), dtype=jnp.float32)
    return {"pos_indicator": pos_indicator, "pred_confs": pred_confs}

def reference(pos_indicator, pred_confs):
    # Faithful translation of the per-batch masked-select + BCE(target=1, reduction='sum').
    # masked_select(pred_confs[b], pos_indicator[b]) followed by BCE against ones is,
    # for target==1, sum over positive positions of -clamp(log(p), min=-100)
    # (torch BCE clamps log terms at -100). Dynamic-shape masked_select is expressed
    # as a masked reduction (jnp.where) which is jit-compatible and numerically identical.
    mask = pos_indicator[..., None]  # (B, H, W, 1)
    log_p = jnp.clip(jnp.log(pred_confs), -100.0, None)
    per_elem = jnp.where(mask, -log_p, 0.0)
    pos_loss = jnp.sum(per_elem, axis=(1, 2, 3))  # shape (B,), the per-sample pos_loss from the loop
    return pos_loss

if __name__ == "__main__":
    import jax
    _d = setup_inputs()
    print(jax.jit(kernel)(*tuple(_d.values())))

</pallas_src>

<mosaic_0001>
module attributes {stable_mosaic.version = 14 : i64} {
  func.func @_loss_body(%arg0: i32, %arg1: memref<1x512x512xi32, #tpu.memory_space<vmem>>, %arg2: memref<1x512x512xf32, #tpu.memory_space<vmem>>, %arg3: memref<1x1x1xf32, #tpu.memory_space<smem>>) attributes {dimension_semantics = [#tpu.dimension_semantics<arbitrary>], iteration_bounds = array<i64: 32>, scalar_prefetch = 0 : i64, scratch_operands = 0 : i64, tpu.core_type = #tpu.core_type<tc>, window_params = [{transform_indices = @transform_0, window_bounds = array<i64: 1, 512, 512>}, {transform_indices = @transform_1, window_bounds = array<i64: 1, 512, 512>}, {transform_indices = @transform_2, window_bounds = array<i64: 1, 1, 1>}]} {
    %get3A = arith.constant 0 : index
    %get3A_0 = arith.constant 0 : index
    %get3A_1 = arith.constant 0 : index
    %get3A_2 = vector.load %arg2[%get3A, %get3A_0, %get3A_1] : memref<1x512x512xf32, #tpu.memory_space<vmem>>, vector<1x512x512xf32>
    %reshape3A = vector.shape_cast %get3A_2 : vector<1x512x512xf32> to vector<512x512xf32>
    %get3A_3 = arith.constant 0 : index
    %get3A_4 = arith.constant 0 : index
    %get3A_5 = arith.constant 0 : index
    %get3A_6 = vector.load %arg1[%get3A_3, %get3A_4, %get3A_5] : memref<1x512x512xi32, #tpu.memory_space<vmem>>, vector<1x512x512xi32>
    %get3A_7 = arith.constant dense<0> : vector<1x512x512xi32>
    %get3A_8 = arith.cmpi ne, %get3A_6, %get3A_7 : vector<1x512x512xi32>
    %reshape3A_9 = vector.shape_cast %get3A_8 : vector<1x512x512xi1> to vector<512x512xi1>
    %mul3A = arith.constant 1.84467441E+19 : f32
    %mul3A_10 = vector.broadcast %mul3A : f32 to vector<512x512xf32>
    %mul3A_11 = arith.mulf %reshape3A, %mul3A_10 : vector<512x512xf32>
    %lt3A = arith.constant 6.86232911E-25 : f32
    %lt3A_12 = vector.broadcast %lt3A : f32 to vector<512x512xf32>
    %lt3A_13 = arith.cmpf olt, %mul3A_11, %lt3A_12 : vector<512x512xf32>
    %jit3A = arith.constant 6.86232911E-25 : f32
    %broadcast_in_dim3A = vector.broadcast %jit3A : f32 to vector<512x512xf32>
    %select_n3A = arith.select %lt3A_13, %broadcast_in_dim3A, %mul3A_11 : vector<512x512xi1>, vector<512x512xf32>
    %jit3A_14 = arith.constant 1.84467441E+19 : f32
    %broadcast_in_dim3A_15 = vector.broadcast %jit3A_14 : f32 to vector<512x512xf32>
    %select_n3A_16 = arith.select %reshape3A_9, %select_n3A, %broadcast_in_dim3A_15 : vector<512x512xi1>, vector<512x512xf32>
    %bitcast_convert_type3A = tpu.bitcast %select_n3A_16 : vector<512x512xf32> -> vector<512x512xi32>
    %shift_right_arithmetic3A = arith.constant 23 : i32
    %shift_right_arithmetic3A_17 = vector.broadcast %shift_right_arithmetic3A : i32 to vector<512x512xi32>
    %shift_right_arithmetic3A_18 = arith.shrsi %bitcast_convert_type3A, %shift_right_arithmetic3A_17 : vector<512x512xi32>
    %reduce_sum3A = vector.shape_cast %shift_right_arithmetic3A_18 : vector<512x512xi32> to vector<1x512x512xi32>
    %reduce_sum3A_19 = arith.constant dense<0> : vector<1xi32>
    %reduce_sum3A_20 = vector.multi_reduction <add>, %reduce_sum3A, %reduce_sum3A_19 [1, 2] : vector<1x512x512xi32> to vector<1xi32>
    %reduce_sum3A_21 = vector.shape_cast %reduce_sum3A_20 : vector<1xi32> to vector<1x1x1xi32>
    %reduce_sum3A_22 = vector.extract %reduce_sum3A_21[0, 0, 0] : i32 from vector<1x1x1xi32>
    %and3A = arith.constant 8388607 : i32
    %and3A_23 = vector.broadcast %and3A : i32 to vector<512x512xi32>
    %and3A_24 = arith.andi %bitcast_convert_type3A, %and3A_23 : vector<512x512xi32>
    %or3A = arith.constant 1065353216 : i32
    %or3A_25 = vector.broadcast %or3A : i32 to vector<512x512xi32>
    %or3A_26 = arith.ori %and3A_24, %or3A_25 : vector<512x512xi32>
    %bitcast_convert_type3A_27 = tpu.bitcast %or3A_26 : vector<512x512xi32> -> vector<512x512xf32>
    %reshape3A_28 = vector.shape_cast %bitcast_convert_type3A_27 : vector<512x512xf32> to vector<16x32x512xf32>
    %slice3A = vector.extract_strided_slice %reshape3A_28 {offsets = [0, 0, 0], sizes = [16, 16, 512], strides = [1, 1, 1]} : vector<16x32x512xf32> to vector<16x16x512xf32>
    %slice3A_29 = vector.extract_strided_slice %reshape3A_28 {offsets = [0, 16, 0], sizes = [16, 16, 512], strides = [1, 1, 1]} : vector<16x32x512xf32> to vector<16x16x512xf32>
    %mul3A_30 = arith.mulf %slice3A, %slice3A_29 : vector<16x16x512xf32>
    %slice3A_31 = vector.extract_strided_slice %mul3A_30 {offsets = [0, 0, 0], sizes = [16, 8, 512], strides = [1, 1, 1]} : vector<16x16x512xf32> to vector<16x8x512xf32>
    %slice3A_32 = vector.extract_strided_slice %mul3A_30 {offsets = [0, 8, 0], sizes = [16, 8, 512], strides = [1, 1, 1]} : vector<16x16x512xf32> to vector<16x8x512xf32>
    %mul3A_33 = arith.mulf %slice3A_31, %slice3A_32 : vector<16x8x512xf32>
    %slice3A_34 = vector.extract_strided_slice %mul3A_33 {offsets = [0, 0, 0], sizes = [16, 4, 512], strides = [1, 1, 1]} : vector<16x8x512xf32> to vector<16x4x512xf32>
    %slice3A_35 = vector.extract_strided_slice %mul3A_33 {offsets = [0, 4, 0], sizes = [16, 4, 512], strides = [1, 1, 1]} : vector<16x8x512xf32> to vector<16x4x512xf32>
    %mul3A_36 = arith.mulf %slice3A_34, %slice3A_35 : vector<16x4x512xf32>
    %slice3A_37 = vector.extract_strided_slice %mul3A_36 {offsets = [0, 0, 0], sizes = [16, 2, 512], strides = [1, 1, 1]} : vector<16x4x512xf32> to vector<16x2x512xf32>
    %slice3A_38 = vector.extract_strided_slice %mul3A_36 {offsets = [0, 2, 0], sizes = [16, 2, 512], strides = [1, 1, 1]} : vector<16x4x512xf32> to vector<16x2x512xf32>
    %mul3A_39 = arith.mulf %slice3A_37, %slice3A_38 : vector<16x2x512xf32>
    %slice3A_40 = vector.extract_strided_slice %mul3A_39 {offsets = [0, 0, 0], sizes = [16, 1, 512], strides = [1, 1, 1]} : vector<16x2x512xf32> to vector<16x1x512xf32>
    %slice3A_41 = vector.extract_strided_slice %mul3A_39 {offsets = [0, 1, 0], sizes = [16, 1, 512], strides = [1, 1, 1]} : vector<16x2x512xf32> to vector<16x1x512xf32>
    %mul3A_42 = arith.mulf %slice3A_40, %slice3A_41 : vector<16x1x512xf32>
    %squeeze3A = vector.shape_cast %mul3A_42 : vector<16x1x512xf32> to vector<16x512xf32>
    %log3A = math.log %squeeze3A : vector<16x512xf32>
    %reduce_sum3A_43 = vector.shape_cast %log3A : vector<16x512xf32> to vector<1x16x512xf32>
    %reduce_sum3A_44 = arith.constant dense<0.000000e+00> : vector<1xf32>
    %reduce_sum3A_45 = vector.multi_reduction <add>, %reduce_sum3A_43, %reduce_sum3A_44 [1, 2] : vector<1x16x512xf32> to vector<1xf32>
    %reduce_sum3A_46 = vector.shape_cast %reduce_sum3A_45 : vector<1xf32> to vector<1x1x1xf32>
    %reduce_sum3A_47 = vector.extract %reduce_sum3A_46[0, 0, 0] : f32 from vector<1x1x1xf32>
    %sub3A = arith.constant 50069504 : i32
    %sub3A_48 = arith.subi %reduce_sum3A_22, %sub3A : i32
    %convert_element_type3A = arith.sitofp %sub3A_48 : i32 to f32
    %mul3A_49 = arith.constant 0.693147182 : f32
    %mul3A_50 = arith.mulf %mul3A_49, %convert_element_type3A : f32
    %add3A = arith.addf %mul3A_50, %reduce_sum3A_47 : f32
    %neg3A = arith.constant 0.000000e+00 : f32
    %neg3A_51 = arith.subf %neg3A, %add3A : f32
    %swap3A = arith.constant 0 : index
    %swap3A_52 = arith.constant 0 : index
    %swap3A_53 = arith.constant 0 : index
    %swap3A_54 = memref.load %arg3[%swap3A, %swap3A_52, %swap3A_53] : memref<1x1x1xf32, #tpu.memory_space<smem>>
    memref.store %neg3A_51, %arg3[%swap3A, %swap3A_52, %swap3A_53] : memref<1x1x1xf32, #tpu.memory_space<smem>>
    return
  }
  func.func @transform_0(%arg0: i32) -> (i32, i32, i32) {
    %c0_i32 = arith.constant 0 : i32
    %c0_i32_0 = arith.constant 0 : i32
    %c0_i32_1 = arith.constant 0 : i32
    return %arg0, %c0_i32, %c0_i32_0 : i32, i32, i32
  }
  func.func @transform_1(%arg0: i32) -> (i32, i32, i32) {
    %c0_i32 = arith.constant 0 : i32
    %c0_i32_0 = arith.constant 0 : i32
    %c0_i32_1 = arith.constant 0 : i32
    return %arg0, %c0_i32, %c0_i32_0 : i32, i32, i32
  }
  func.func @transform_2(%arg0: i32) -> (i32, i32, i32) {
    %c0_i32 = arith.constant 0 : i32
    %c0_i32_0 = arith.constant 0 : i32
    %c0_i32_1 = arith.constant 0 : i32
    return %arg0, %c0_i32, %c0_i32_0 : i32, i32, i32
  }
}

</mosaic_0001>

<sc_bundles>
// kernel: sparse-core-data-format-call.cloned.1.call-start
scs
called_computation_lowered:
.L_overlay_start_0:
0x0: {  	s2 =	sld [smem:$0x3FD9]  }
0x1: {  	s3 =	sld [smem:$0x3FFE];
	_ =	sdelay $0x1  }
0x2: {  	s1 =	srdreg.scid  }
0x3: {  	s0 =	sand.u32 $0x1, s1  }
0x4: {  	s18 =	sshll.u32 s0, $0xA;
	s2 =	sadd.s32 s3, s2  }
0x5: {  	s2 =	sadd.s32 s2, s18  }
0x6: {  	[smem:$0x3FC6] =	sst s2  }
0x7: {  	_ = 	snop  }
0x8: {  	s2 =	sld [smem:$0x3FC8];
	(tm) =	ssettm $0x1  }
0x9: {  	s19 =	sld [smem:$0x3FFB];
	_ =	sdelay $0x3  }
0xa: {  	_ =	strace s19  }
0xb: {  	s3 =	sld [smem:$0x3FFC];
	_ =	sdelay $0x3  }
0xc: {  	_ =	strace s3  }
0xd: {  	s3 =	sld [smem:$0x3FFD];
	_ =	sdelay $0x3  }
0xe: {  	_ =	strace s3  }
0xf: {  	_ =	strace $0x8FFFFFFF  }
0x10: {  	s20 =	sld [smem:$0x3FDB];
	_ =	sdelay $0x1  }
0x11: {  	s4 =	simm.s32 $_scs_section_size  }
0x12: {  	s5 =	simm.s32 $_size__tile_overlayer_lowered;
	s6 =	simm.s32 $_tile_overlayer_lowered  }
0x13: {  	s23 =	simm.s32 $0x1BFF;
	s22 =	sshll.u32 s6, $0x1;
	s3 =	sadd.s32 s4, s20  }
0x14: {  	s7 =	simm.s32 $0x0;
	s21 =	sshll.u32 s5, $0x1;
	s5 =	sadd.s32 s22, s3  }
0x15: {  	[timem:s7], [sflag:s23] =	dma.local [hbm:s5], s21  }
0x16: {  	_ =	swait.ge [sflag:s23], s21  }
0x17: {  	s4 =	ssub.s32 $0x0, s21;
	[sflag:s23] =	ssyncset.done $0x0  }
0x18: {  	[sflag:s23] =	ssyncadd.s32 s4;
	_ =	sdelay $0x1  }
0x19: {  	s24 =	simm.s32 $0x1B8B  }
0x1a: {  	_ =	swait.ge [sflag:s24], $0x1  }
0x1b: {  	[sflag:s24] =	ssyncset.done $0x0  }
0x1c: {  	s26 =	simm.s32 $0x1B8E;
	s25 =	sld [smem:$0x3FFE];
	[sflag:s24] =	ssyncadd.s32 $0xFFFFFFFF  }
0x1d: {  	s27 =	simm.s32 $execute0_lowered;
	[smem:$0x3FD2] =	sst s26  }
0x1e: {  	s5 =	sshll.u32 s27, $0x1;
	_ =	strace $0x80000046;
	[dreg:$0x1] =	wrdreg $0xFFFFFFFF  }
0x1f: {  	s28 =	simm.s32 $_size_execute0_lowered;
	s3 =	sadd.s32 s3, s5;
	[dreg:$0x0] =	wrdreg $0x0  }
0x20: {  	s5 =	sshll.u32 s28, $0x1;
	[dreg:$0x2] =	wrdreg s3  }
0x21: {  	[dreg:$0x3] =	wrdreg s5  }
0x22: {  	[dreg:$0x4] =	wrdreg $0xC0  }
0x23: {  	_ =	task [dreg:s7], $0x5FFFF  }
0x24: {  	[dreg:$0x1] =	wrdreg $0xFFFFFFFF  }
0x25: {  	[dreg:$0x0] =	wrdreg $0x60  }
0x26: {  	[dreg:$0x2] =	wrdreg s2  }
0x27: {  	[dreg:$0x3] =	wrdreg s25  }
0x28: {  	[dreg:$0x4] =	wrdreg $0x9  }
0x29: {  	_ =	task.clear_ibuf [dreg:s7], $0x5FFFF;
	_ =	strace $0x90000046  }
0x2a: {  	s29 =	simm.s32 $0x9;
	_ =	strace $0x80000048  }
0x2b: {  	_ =	swait.ge [sflag:s29], $0x1  }
0x2c: {  	[sflag:s29] =	ssyncadd.s32 $0xFFFFFFFF  }
0x2d: {  	_ =	strace $0x90000048  }
0x2e: {  	_ =	sfence  }
0x2f: {  	s30 =	sld [smem:$0x0];
	_ =	sdelay $0x2  }
0x30: {  	s31 =	sshll.u32 s1, $0xD;
	s1 =	sshrl.u32 s1, $0x2  }
0x31: {  	s3 =	sand.u32 $0x4000, s31;
	s1 =	sadd.s32 s1, s30  }
0x32: {  	s0 =	sor.u32 s3, s0;
	s1 =	sshll.u32 s1, $0x11  }
0x33: {  	s0 =	sor.u32 s1, s0  }
0x34: {  	s0 =	sadd.s32 $0x8F2B, s0  }
0x35: {  	[sflag:s0] =	ssyncadd.remote.s32 $0x1  }
0x36: {  	_ =	sfence.sel $0xFFFF  }
0x37: {  	[dreg:$0x0] =	wrdreg $0xFFFFFFFF;
	(pc) =	sbr.abs _section_cstart, $3  }
0x38: {  	[dreg:$0x1] =	wrdreg $0xFFFFFFFF  }
0x39: {  	_ =	task.clear_ibuf [dreg:s7], $0x2FFFF;
	_ =	strace $0x9FFFFFFF  }
0x3a: {  	(tm) =	ssettm $0x7FFFFFFF  }
0x3b: {  	_ =	shalt  }
tec
execute0_lowered:
.L_overlay_start_1:
0x0: {  	(tag) =	ssettag $0x1  }
0x1: {  	s2 =	rddreg [dreg:$0x0]  }
0x2: {  	s4 =	rddreg [dreg:$0x1]  }
0x3: {  	s0 =	rddreg [dreg:$0x2];
	_ =	strace $0x80000047  }
0x4: {  	s3 =	srdreg.scid;
	s1 =	stileid.u32;
	s6 =	simm.s32 $0x2  }
.Ltmp0:
0x5: {  	p0 =	por $0x0, $0x0;
	s11 =	simm.s32 $0x0;
	(pc) =	sbr.rel .LBB1_1-.Ltmp0, $4  }
0x6: {  	s10 =	simm.s32 $0x0;
	s8 =	simm.s32 $0x0;
	s5 =	sshll.u32 s3, $0x4  }
0x7: {  	s7 =	simm.s32 $0x0;
	s3 =	simm.s32 $0x1;
	s5 =	sand.u32 $0x10, s5  }
0x8: {  	s4 =	sadd.s32 $0x200, s4;
	[sflag:s3] =	ssyncpa.u1 $0x0;
	s5 =	sor.u32 s1, s5  }
0x9: {  	[sflag:s6] =	ssyncpa.u1 $0x0;
	s6 =	simm.s32 $0x0;
	s9 =	smov.u32 s5  }
.LBB1_5:
0xa: {  	s12 =	sadd.s32 $0x20, s8  }
0xb: {  	s10 =	sadd.s32 $0x20, s9;
	s14 =	smov.u32 s9;
	p2 =	sgt.s32 s12, $0x1FF  }
0xc: {  	p1 =	slt.u32 s7, $0x2;
	s14 =	smov.u32 @p2 s10  }
0xd: {  	s7 =	sadd.s32 $0x1, s7;
	s12 =	simm.s32 @p2 $0x0;
	p2 =	sgt.s32 s14, $0x1F  }
0xe: {  	s14 =	smov.u32 @p2 s5;
	p2 =	sne.s32 s7, $0x12  }
.Ltmp1:
0xf: {  	_ = 	snop;
	(pc) =	sbr.rel @!p2 .LBB1_6-.Ltmp1, $4  }
0x10: {  	s13 =	simm.s32 @!p1 $0x2  }
0x11: {  	s11 =	smov.u32 s8;
	_ =	swait.ge @!p1 [sflag:s13], $0x4000  }
0x12: {  	p0 =	por !p0, !p0;
	s10 =	smov.u32 s9;
	[sflag:s13] =	ssyncset.done @!p1 $0x0  }
0x13: {  	s8 =	smov.u32 s12;
	[sflag:s13] =	ssyncadd.s32 @!p1 $0xFFFFC000;
	s9 =	smov.u32 s14  }
.LBB1_1:
0x14: {  	p1 =	sgt.u32 s7, $0xF  }
0x15: {  	s12 =	sxor.u32 @!p1 $0xFFFFFFFF, s7;
	s13 =	sshll.u32 @!p1 s9, $0xF  }
0x16: {  	s14 =	sshll.u32 @!p1 s8, $0x6;
	s12 =	sshll.u32 @!p1 s12, $0xE;
	s13 =	sadd.s32 @!p1 s2, s13  }
0x17: {  	s12 =	sand.u32 @!p1 $0x4000, s12;
	s13 =	sadd.s32 @!p1 s14, s13;
	s14 =	simm.s32 @!p1 $0x0  }
0x18: {  	[tilespmem:s12], [sflag:$0x1] =	stream.linear.gather @!p1 [hbm4b:s13+s14], $0x4000, $0x38;
	[tilespmem:$0x10000] =	vst v63  }
0x19: {  	p1 =	seq.s32 s7, $0x0  }
0x1a: {  	p2 =	seq.s32 @!p1 s7, $0x11  }
0x1b: {  	p1 =	por p1, p2  }
.Ltmp2:
0x1c: {  	_ = 	snop;
	(pc) =	sbr.rel @p1 .LBB1_5-.Ltmp2, $1  }
0x1d: {  	_ =	sdelay $0x3  }
0x1e: {  	s12 =	simm.s32 $0x1  }
0x1f: {  	_ =	swait.ge [sflag:s3], $0x4000;
	s12 =	simm.s32 @!p0 $0x0  }
0x20: {  	[sflag:s3] =	ssyncset.done $0x0;
	s12 =	sshll.u32 s12, $0xE  }
0x21: {  	[sflag:s3] =	ssyncadd.s32 $0xFFFFC000;
	s14 =	sor.u32 $0x100, s12  }
0x22: {  	v1 =	vld [tilespmem:s14+$0xF0]  }
0x23: {  	s15 =	simm.s32 $0x0;
	v2 =	vld [tilespmem:s14+$0xFFFFFF10]  }
0x24: {  	s31 =	sshll.u32 s7, $0xE;
	s13 =	sand.u32 $0x3000, s15;
	s16 =	sand.u32 $0x380, s15;
	v3 =	vld [tilespmem:s14+$0xFFFFFF20]  }
0x25: {  	s13 =	sor.u32 s16, s13;
	s12 =	sand.u32 $0x4000, s31;
	v4 =	vld [tilespmem:s14+$0xFFFFFF30]  }
0x26: {  	s16 =	sand.u32 $0x3200, s13;
	s12 =	sor.u32 $0x8000, s12;
	v5 =	vld [tilespmem:s14+$0xFFFFFF40]  }
0x27: {  	s17 =	sand.u32 $0x180, s15;
	v6 =	vld [tilespmem:s14+$0xFFFFFF50];
	s16 =	sadd.s32 s16, s12  }
0x28: {  	v7 =	vld [tilespmem:s14+$0xFFFFFF60];
	s16 =	sadd.s32 s17, s16  }
0x29: {  	v8 =	vld [tilespmem:s14+$0x70];
	[tilespmem:s16+$0x10] =	vst v2  }
0x2a: {  	v9 =	vld [tilespmem:s14+$0x80];
	[tilespmem:s16+$0x20] =	vst v3  }
0x2b: {  	v10 =	vld [tilespmem:s14+$0x90];
	v0 =	vmov s12;
	[tilespmem:s16+$0x30] =	vst v4  }
0x2c: {  	v2 =	vld [tilespmem:s14+$0xFFFFFF80];
	[tilespmem:s16+$0x40] =	vst v5  }
0x2d: {  	v3 =	vld [tilespmem:s14+$0xFFFFFF90];
	[tilespmem:s16+$0x50] =	vst v6  }
0x2e: {  	v4 =	vld [tilespmem:s14+$0xFFFFFFA0];
	[tilespmem:s16+$0x60] =	vst v7  }
0x2f: {  	v5 =	vld [tilespmem:s14+$0xFFFFFFB0];
	[tilespmem:s16+$0xC00] =	vst v9  }
0x30: {  	v6 =	vld [tilespmem:s14+$0xFFFFFFC0];
	[tilespmem:v0+s13+$0xC70 ss:$0x1] =	vst.idx.msk $0xffff, v1  }
0x31: {  	v7 =	vld [tilespmem:s14+$0xFFFFFFD0];
	[tilespmem:v0+s13+$0x870 ss:$0x1] =	vst.idx.msk $0xffff, v8  }
0x32: {  	v1 =	vld [tilespmem:s14+$0xFFFFFF70];
	[tilespmem:v0+s13+$0xC10 ss:$0x1] =	vst.idx.msk $0xffff, v10  }
0x33: {  	[tilespmem:s16+$0x400] =	vst v2;
	v2 =	vld [tilespmem:s14+$0xFFFFFFF0]  }
0x34: {  	[tilespmem:v0+s13+$0x410 ss:$0x1] =	vst.idx.msk $0xffff, v3;
	v3 =	vld [tilespmem:s14+$0x0]  }
0x35: {  	[tilespmem:v0+s13+$0x420 ss:$0x1] =	vst.idx.msk $0xffff, v4;
	v4 =	vld [tilespmem:s14+$0x10]  }
0x36: {  	[tilespmem:v0+s13+$0x430 ss:$0x1] =	vst.idx.msk $0xffff, v5;
	v5 =	vld [tilespmem:s14+$0x20]  }
0x37: {  	[tilespmem:s16+$0x70] =	vst v1;
	v1 =	vld [tilespmem:s14+$0xFFFFFFE0]  }
0x38: {  	[tilespmem:v0+s13+$0x450 ss:$0x1] =	vst.idx.msk $0xffff, v7;
	v7 =	vld [tilespmem:s14+$0x40]  }
0x39: {  	[tilespmem:v0+s13+$0x440 ss:$0x1] =	vst.idx.msk $0xffff, v6;
	v6 =	vld [tilespmem:s14+$0x30]  }
0x3a: {  	[tilespmem:v0+s13+$0x470 ss:$0x1] =	vst.idx.msk $0xffff, v2;
	v2 =	vld [tilespmem:s14+$0x60]  }
0x3b: {  	[tilespmem:v0+s13+$0x810 ss:$0x1] =	vst.idx.msk $0xffff, v4;
	v4 =	vld [tilespmem:s14+$0xA0]  }
0x3c: {  	[tilespmem:v0+s13+$0x460 ss:$0x1] =	vst.idx.msk $0xffff, v1;
	v1 =	vld [tilespmem:s14+$0x50]  }
0x3d: {  	[tilespmem:v0+s13+$0x840 ss:$0x1] =	vst.idx.msk $0xffff, v7;
	v7 =	vld [tilespmem:s14+$0xB0]  }
0x3e: {  	[tilespmem:s16+$0x800] =	vst v3;
	v3 =	vld [tilespmem:s14+$0xC0]  }
0x3f: {  	[tilespmem:v0+s13+$0x820 ss:$0x1] =	vst.idx.msk $0xffff, v5;
	v5 =	vld [tilespmem:s14+$0xFFFFFF00]  }
0x40: {  	[tilespmem:v0+s13+$0x860 ss:$0x1] =	vst.idx.msk $0xffff, v2;
	v2 =	vld [tilespmem:s14+$0xD0]  }
0x41: {  	[tilespmem:v0+s13+$0x850 ss:$0x1] =	vst.idx.msk $0xffff, v1;
	v1 =	vld [tilespmem:s14+$0xE0];
	s14 =	sadd.s32 $0x200, s14  }
0x42: {  	s18 =	simm.s32 $0x200;
	s17 =	simm.s32 $0x400;
	[tilespmem:v0+s13+$0x830 ss:$0x1] =	vst.idx.msk $0xffff, v6;
	v6 =	vld [tilespmem:s14+$0xF0]  }
.LBB1_3:
0x43: {  	p1 =	sne.s32 s17, $0x3E00;
	v8 =	vld [tilespmem:s14+$0xFFFFFF10];
	[tilespmem:v0+s13+$0xC20 ss:$0x1] =	vst.idx.msk $0xffff, v4  }
0x44: {  	s15 =	sadd.s32 $0x80, s15;
	v4 =	vld [tilespmem:s14+$0xFFFFFF20];
	[tilespmem:v0+s13+$0xC30 ss:$0x1] =	vst.idx.msk $0xffff, v7  }
0x45: {  	s18 =	sand.u32 $0x3000, s18;
	s19 =	sand.u32 $0x380, s15;
	s20 =	sand.u32 $0x180, s15;
	v7 =	vld [tilespmem:s14+$0xFFFFFF30];
	[tilespmem:v0+s13+$0xC40 ss:$0x1] =	vst.idx.msk $0xffff, v3  }
0x46: {  	s19 =	sor.u32 s19, s18;
	s18 =	smov.u32 s17;
	v3 =	vld [tilespmem:s14+$0xFFFFFF40];
	[tilespmem:s16+$0x0] =	vst v5  }
0x47: {  	s16 =	sand.u32 $0x3200, s19;
	v5 =	vld [tilespmem:s14+$0xFFFFFF50];
	[tilespmem:v0+s19+$0xC70 ss:$0x1] =	vst.idx.msk $0xffff, v6  }
0x48: {  	s16 =	sadd.s32 s16, s12;
	v6 =	vld [tilespmem:s14+$0xFFFFFF60];
	[tilespmem:v0+s13+$0xC50 ss:$0x1] =	vst.idx.msk $0xffff, v2  }
0x49: {  	s16 =	sadd.s32 s20, s16;
	v2 =	vld [tilespmem:s14+$0xFFFFFF70];
	[tilespmem:v0+s13+$0xC60 ss:$0x1] =	vst.idx.msk $0xffff, v1;
	s13 =	smov.u32 s19  }
0x4a: {  	[tilespmem:s16+$0x10] =	vst v8;
	v1 =	vld [tilespmem:s14+$0xFFFFFF80]  }
0x4b: {  	[tilespmem:s16+$0x20] =	vst v4;
	v4 =	vld [tilespmem:s14+$0xFFFFFF90]  }
0x4c: {  	[tilespmem:s16+$0x30] =	vst v7;
	v7 =	vld [tilespmem:s14+$0xFFFFFFA0]  }
0x4d: {  	[tilespmem:s16+$0x40] =	vst v3;
	v3 =	vld [tilespmem:s14+$0xFFFFFFB0]  }
0x4e: {  	[tilespmem:s16+$0x50] =	vst v5;
	v5 =	vld [tilespmem:s14+$0xFFFFFFC0]  }
0x4f: {  	[tilespmem:s16+$0x60] =	vst v6;
	v6 =	vld [tilespmem:s14+$0xFFFFFFD0]  }
0x50: {  	[tilespmem:s16+$0x70] =	vst v2;
	v2 =	vld [tilespmem:s14+$0xFFFFFFE0]  }
0x51: {  	[tilespmem:s16+$0x400] =	vst v1;
	v1 =	vld [tilespmem:s14+$0xFFFFFFF0]  }
0x52: {  	[tilespmem:v0+s13+$0x410 ss:$0x1] =	vst.idx.msk $0xffff, v4;
	v4 =	vld [tilespmem:s14+$0x0]  }
0x53: {  	[tilespmem:v0+s13+$0x420 ss:$0x1] =	vst.idx.msk $0xffff, v7;
	v7 =	vld [tilespmem:s14+$0x10]  }
0x54: {  	[tilespmem:v0+s13+$0x430 ss:$0x1] =	vst.idx.msk $0xffff, v3;
	v3 =	vld [tilespmem:s14+$0x20]  }
0x55: {  	[tilespmem:v0+s13+$0x440 ss:$0x1] =	vst.idx.msk $0xffff, v5;
	v5 =	vld [tilespmem:s14+$0x30]  }
0x56: {  	[tilespmem:v0+s13+$0x450 ss:$0x1] =	vst.idx.msk $0xffff, v6;
	v6 =	vld [tilespmem:s14+$0x40]  }
0x57: {  	[tilespmem:v0+s13+$0x460 ss:$0x1] =	vst.idx.msk $0xffff, v2;
	v2 =	vld [tilespmem:s14+$0x50]  }
0x58: {  	[tilespmem:v0+s13+$0x470 ss:$0x1] =	vst.idx.msk $0xffff, v1;
	v1 =	vld [tilespmem:s14+$0x60]  }
0x59: {  	[tilespmem:s16+$0x800] =	vst v4;
	v8 =	vld [tilespmem:s14+$0x70]  }
0x5a: {  	[tilespmem:v0+s13+$0x810 ss:$0x1] =	vst.idx.msk $0xffff, v7;
	v9 =	vld [tilespmem:s14+$0x80]  }
0x5b: {  	[tilespmem:v0+s13+$0x820 ss:$0x1] =	vst.idx.msk $0xffff, v3;
	v10 =	vld [tilespmem:s14+$0x90]  }
0x5c: {  	[tilespmem:v0+s13+$0x830 ss:$0x1] =	vst.idx.msk $0xffff, v5;
	v4 =	vld [tilespmem:s14+$0xA0]  }
0x5d: {  	[tilespmem:v0+s13+$0x840 ss:$0x1] =	vst.idx.msk $0xffff, v6;
	v7 =	vld [tilespmem:s14+$0xB0]  }
.Ltmp3:
0x5e: {  	[tilespmem:v0+s13+$0x850 ss:$0x1] =	vst.idx.msk $0xffff, v2;
	v3 =	vld [tilespmem:s14+$0xC0];
	(pc) =	sbr.rel @p1 .LBB1_3-.Ltmp3, $4  }
0x5f: {  	[tilespmem:v0+s13+$0x860 ss:$0x1] =	vst.idx.msk $0xffff, v1;
	v2 =	vld [tilespmem:s14+$0xD0]  }
0x60: {  	[tilespmem:v0+s13+$0x870 ss:$0x1] =	vst.idx.msk $0xffff, v8;
	v1 =	vld [tilespmem:s14+$0xE0]  }
0x61: {  	v5 =	vld [tilespmem:s14+$0xFFFFFF00];
	[tilespmem:s16+$0xC00] =	vst v9;
	s14 =	sadd.s32 $0x200, s14  }
0x62: {  	s17 =	sadd.s32 $0x200, s17;
	v6 =	vld [tilespmem:s14+$0xF0];
	[tilespmem:v0+s13+$0xC10 ss:$0x1] =	vst.idx.msk $0xffff, v10  }
0x63: {  	_ =	sdelay $0x3  }
0x64: {  	[tilespmem:v0+s13+$0xC20 ss:$0x1] =	vst.idx.msk $0xffff, v4  }
0x65: {  	[tilespmem:v0+s13+$0xC30 ss:$0x1] =	vst.idx.msk $0xffff, v7  }
0x66: {  	[tilespmem:v0+s13+$0xC40 ss:$0x1] =	vst.idx.msk $0xffff, v3;
	v41 =	vld [tilespmem:s14+$0xFFFFFF90]  }
0x67: {  	s17 =	sadd.s32 $0x80, s15;
	v42 =	vld [tilespmem:s14+$0xFFFFFFA0];
	[tilespmem:v0+s13+$0xC50 ss:$0x1] =	vst.idx.msk $0xffff, v2  }
0x68: {  	s27 =	sand.u32 $0x3000, s18;
	v43 =	vld [tilespmem:s14+$0xFFFFFFB0];
	s28 =	sand.u32 $0x380, s17;
	[tilespmem:v0+s13+$0xC60 ss:$0x1] =	vst.idx.msk $0xffff, v1  }
0x69: {  	v44 =	vld [tilespmem:s14+$0xFFFFFFC0];
	s15 =	sor.u32 s28, s27;
	[tilespmem:s16+$0x0] =	vst v5  }
0x6a: {  	v45 =	vld [tilespmem:s14+$0xFFFFFFD0];
	[tilespmem:v0+s15+$0xC70 ss:$0x1] =	vst.idx.msk $0xffff, v6  }
0x6b: {  	v46 =	vld [tilespmem:s14+$0xFFFFFFE0];
	[tilespmem:v0+s15+$0x410 ss:$0x1] =	vst.idx.msk $0xffff, v41  }
0x6c: {  	v47 =	vld [tilespmem:s14+$0xFFFFFFF0];
	[tilespmem:v0+s15+$0x420 ss:$0x1] =	vst.idx.msk $0xffff, v42  }
0x6d: {  	v49 =	vld [tilespmem:s14+$0x10];
	[tilespmem:v0+s15+$0x430 ss:$0x1] =	vst.idx.msk $0xffff, v43  }
0x6e: {  	v50 =	vld [tilespmem:s14+$0x20];
	[tilespmem:v0+s15+$0x440 ss:$0x1] =	vst.idx.msk $0xffff, v44  }
0x6f: {  	v51 =	vld [tilespmem:s14+$0x30];
	[tilespmem:v0+s15+$0x450 ss:$0x1] =	vst.idx.msk $0xffff, v45  }
0x70: {  	v52 =	vld [tilespmem:s14+$0x40];
	[tilespmem:v0+s15+$0x460 ss:$0x1] =	vst.idx.msk $0xffff, v46  }
0x71: {  	v53 =	vld [tilespmem:s14+$0x50];
	[tilespmem:v0+s15+$0x470 ss:$0x1] =	vst.idx.msk $0xffff, v47  }
0x72: {  	v54 =	vld [tilespmem:s14+$0x60];
	[tilespmem:v0+s15+$0x810 ss:$0x1] =	vst.idx.msk $0xffff, v49  }
0x73: {  	v55 =	vld [tilespmem:s14+$0x70];
	[tilespmem:v0+s15+$0x820 ss:$0x1] =	vst.idx.msk $0xffff, v50  }
0x74: {  	v57 =	vld [tilespmem:s14+$0x90];
	[tilespmem:v0+s15+$0x830 ss:$0x1] =	vst.idx.msk $0xffff, v51  }
0x75: {  	v58 =	vld [tilespmem:s14+$0xA0];
	[tilespmem:v0+s15+$0x840 ss:$0x1] =	vst.idx.msk $0xffff, v52  }
0x76: {  	v59 =	vld [tilespmem:s14+$0xB0];
	[tilespmem:v0+s15+$0x850 ss:$0x1] =	vst.idx.msk $0xffff, v53  }
0x77: {  	v60 =	vld [tilespmem:s14+$0xC0];
	[tilespmem:v0+s15+$0x860 ss:$0x1] =	vst.idx.msk $0xffff, v54  }
0x78: {  	v62 =	vld [tilespmem:s14+$0xD0];
	[tilespmem:v0+s15+$0x870 ss:$0x1] =	vst.idx.msk $0xffff, v55  }
0x79: {  	v63 =	vld [tilespmem:s14+$0xE0];
	[tilespmem:v0+s15+$0xC10 ss:$0x1] =	vst.idx.msk $0xffff, v57  }
0x7a: {  	v33 =	vld [tilespmem:s14+$0xFFFFFF10];
	[tilespmem:v0+s15+$0xC20 ss:$0x1] =	vst.idx.msk $0xffff, v58  }
0x7b: {  	v34 =	vld [tilespmem:s14+$0xFFFFFF20];
	[tilespmem:v0+s15+$0xC30 ss:$0x1] =	vst.idx.msk $0xffff, v59  }
0x7c: {  	v35 =	vld [tilespmem:s14+$0xFFFFFF30];
	s29 =	sand.u32 $0x3200, s15;
	[tilespmem:v0+s15+$0xC40 ss:$0x1] =	vst.idx.msk $0xffff, v60  }
0x7d: {  	v36 =	vld [tilespmem:s14+$0xFFFFFF40];
	s17 =	sand.u32 $0x180, s17;
	s16 =	sadd.s32 s29, s12;
	[tilespmem:v0+s15+$0xC50 ss:$0x1] =	vst.idx.msk $0xffff, v62  }
0x7e: {  	v37 =	vld [tilespmem:s14+$0xFFFFFF50];
	s16 =	sadd.s32 s17, s16;
	[tilespmem:v0+s15+$0xC60 ss:$0x1] =	vst.idx.msk $0xffff, v63  }
0x7f: {  	v38 =	vld [tilespmem:s14+$0xFFFFFF60];
	[tilespmem:s16+$0x10] =	vst v33  }
0x80: {  	v39 =	vld [tilespmem:s14+$0xFFFFFF70];
	[tilespmem:s16+$0x20] =	vst v34  }
0x81: {  	v40 =	vld [tilespmem:s14+$0xFFFFFF80];
	[tilespmem:s16+$0x30] =	vst v35  }
0x82: {  	v48 =	vld [tilespmem:s14+$0x0];
	[tilespmem:s16+$0x40] =	vst v36  }
0x83: {  	v56 =	vld [tilespmem:s14+$0x80];
	[tilespmem:s16+$0x50] =	vst v37  }
0x84: {  	v61 =	vld [tilespmem:s14+$0xFFFFFF00];
	[tilespmem:s16+$0x60] =	vst v38  }
0x85: {  	s30 =	sshll.u32 s11, $0x9;
	s31 =	sshll.u32 s11, $0x7;
	[tilespmem:s16+$0x70] =	vst v39  }
.Ltmp4:
0x86: {  	s11 =	sand.u32 $0x380, s31;
	s13 =	sand.u32 $0x3F000, s30;
	[tilespmem:s16+$0x400] =	vst v40;
	(pc) =	sbr.rel .LBB1_5-.Ltmp4, $4  }
0x87: {  	s10 =	sshll.u32 s10, $0xF;
	s11 =	sor.u32 s11, s13;
	[tilespmem:s16+$0x800] =	vst v48  }
0x88: {  	s10 =	sadd.s32 s4, s10;
	s11 =	sshrl.u32 s11, $0x3;
	[tilespmem:s16+$0xC00] =	vst v56  }
0x89: {  	s10 =	sadd.s32 s11, s10;
	[tilespmem:s16+$0x0] =	vst v61  }
0x8a: {  	[hbm4b:s10+s6] =	stream.linear.scatter [tilespmem:s12], [sflag:$0x2], $0x4000, $0x38;
	[tilespmem:$0x10000] =	vst v63  }
.LBB1_6:
0x8b: {  	_ =	sfence.sel $0x180000  }
0x8c: {  	s2 =	simm.s32 $0x1;
	[bflag:$0x0] =	sbarrier.arrive $0xFFFF  }
0x8d: {  	s31 =	simm.s32 $0x2;
	[sflag:s2] =	ssyncpa.u1 $0x1  }
0x8e: {  	[sflag:s31] =	ssyncpa.u1 $0x1  }
0x8f: {  	p0 =	sne.s32 s1, $0x0;
	_ =	strace $0x90000047  }
0x90: {  	s0 =	sadd.s32 @!p0 $0x100000, s0;
	[bflag:$0x2] =	sbarrier.arrive $0xFFFF  }
0x91: {  	[sflag:s0] =	ssyncadd.tile.s32 @!p0 $0x1;
	_ =	shalt  }
.Lfunc_end1:
_tile_overlayer_lowered:
.L_overlay_start_2:
0x92: {  	(tag) =	ssettag $0x2  }
0x93: {  	s0 =	rddreg [dreg:$0x0];
	s2 =	stileid.u32  }
0x94: {  	s1 =	rddreg [dreg:$0x1];
	p0 =	sne.s32 s2, $0x0  }
0x95: {  	s3 =	rddreg [dreg:$0x2];
	[bflag:$0x3] =	sbarrier.arrive $0xFFFF;
	s2 =	simm.s32 @!p0 $0x1C01  }
0x96: {  	[timem:s3], [sflag:s2] =	dma.local @!p0 [hbm:s0], s1  }
0x97: {  	s0 =	simm.s32 @!p0 $0x1  }
0x98: {  	_ =	swait.ge @!p0 [sflag:s0], s1  }
0x99: {  	s1 =	ssub.s32 @!p0 $0x0, s1;
	[sflag:s0] =	ssyncset.done @!p0 $0x0  }
0x9a: {  	[sflag:s0] =	ssyncadd.s32 @!p0 s1  }
0x9b: {  	[bflag:$0x3] =	sbarrier.arrive $0xFFFF  }
0x9c: {  	_ =	shalt  }

</sc_bundles>
